<compile_context>
chip_gen: v7x
topology: tpu7x:2x2x1
jax: 0.10.2.dev20260603
libtpu: 0.0.44.dev20260713+nightly
codegen_flags: <defaults>
</compile_context>

<pallas_src>
import numpy as np

import jax
import jax.numpy as jnp
from jax.experimental import pallas as pl

_ANCHORS = np.array(
    [[10, 13], [16, 30], [33, 23], [30, 61], [62, 45], [59, 119],
     [116, 90], [156, 198], [373, 326]], dtype=np.float32)
_MASK = [0, 1, 2]
_N_CLASSES = 80
_ATTRS = _N_CLASSES + 5
_N_ANCHORS = len(_MASK)
_C = _N_ANCHORS * _ATTRS

_GYC = 4

_T = np.arange(_C) % _ATTRS
_A = np.arange(_C) // _ATTRS
_ANCHOR_MUL = np.ones(_C, np.float32)
_ANCHOR_MUL[_T == 2] = _ANCHORS[_MASK][_A[_T == 2], 0]
_ANCHOR_MUL[_T == 3] = _ANCHORS[_MASK][_A[_T == 3], 1]
_IS_EXP = ((_T == 2) | (_T == 3)).astype(np.float32)
_IS_X = (_T == 0).astype(np.float32)
_IS_Y = (_T == 1).astype(np.float32)


def _row_consts(stride):
    is_xy = jnp.asarray(_IS_X + _IS_Y)
    mul = jnp.asarray(_ANCHOR_MUL) * (1.0 - is_xy) + stride * is_xy
    return jnp.stack(
        [mul, jnp.asarray(1.0 - _IS_EXP), jnp.asarray(_IS_X) * stride,
         jnp.asarray(_IS_Y) * stride], axis=0)


def _decode_kernel(x_ref, rc_ref, out_ref):
    gy0 = pl.program_id(0) * _GYC
    v = x_ref[...]
    en = jnp.exp(-v)
    rm = rc_ref[0:1, :].reshape(1, 1, 1, _C)
    adder = rc_ref[1:2, :].reshape(1, 1, 1, _C)
    cx = rc_ref[2:3, :].reshape(1, 1, 1, _C)
    cy = rc_ref[3:4, :].reshape(1, 1, 1, _C)
    base = rm / (adder + en)
    gx = jax.lax.broadcasted_iota(jnp.int32, (1, 76, 1, 1), 1)
    gy = gy0 + jax.lax.broadcasted_iota(jnp.int32, (_GYC, 1, 1, 1), 0)
    val = base + cx * gx.astype(jnp.float32) + cy * gy.astype(jnp.float32)
    t = jnp.transpose(val, (2, 0, 1, 3))
    out_ref[...] = t.reshape(16, _GYC * 76, _C)


def kernel(x, input_dim):
    b, c, h, w = x.shape
    gs = h * w
    xt = jnp.transpose(x, (2, 3, 0, 1))
    stride = (jnp.asarray(input_dim) // h).astype(jnp.float32)
    out = pl.pallas_call(
        _decode_kernel,
        grid=(h // _GYC,),
        in_specs=[
            pl.BlockSpec((_GYC, w, b, c), lambda i: (i, 0, 0, 0)),
            pl.BlockSpec((4, _C), lambda i: (0, 0)),
        ],
        out_specs=pl.BlockSpec((b, _GYC * w, c), lambda i: (0, i, 0)),
        out_shape=jax.ShapeDtypeStruct((b, gs, c), jnp.float32),
    )(xt, _row_consts(stride))
    return out.reshape(b, gs * _N_ANCHORS, _ATTRS)

# --- scband reference (transcript-rebuilt; emitter-appended) ---
"""Pipeline reference for scband-yolo-layer-56642028700200 (READ-ONLY COPY).

The authoritative reference and input builder live on the scoring server;
editing this copy changes nothing except your own understanding.
"""

import jax, jax.numpy as jnp
import numpy as np

ANCHORS = np.array([[10,13],[16,30],[33,23],[30,61],[62,45],[59,119],[116,90],[156,198],[373,326]], dtype=np.float32)
MASK = [0, 1, 2]
N_CLASSES = 80
SCALE_XY = 1.0


def setup_inputs(seed: int = 0) -> dict:
    key = jax.random.key(seed)
    x = jax.random.normal(key, (16, 255, 76, 76), dtype=jnp.float32)
    return {"x": x, "input_dim": 608}


def reference(x, input_dim):
    grid_dim = x.shape[2]
    grid_stride = (jnp.asarray(input_dim) // grid_dim).astype(jnp.float32)
    batch_num = x.shape[0]
    n_anchors = len(MASK)
    attrs_per_anchor = N_CLASSES + 5
    grid_size = grid_dim * grid_dim
    anchors = jnp.asarray(ANCHORS[MASK], dtype=jnp.float32) / grid_stride  # [A, 2]
    # [B, 255, H, W] -> [B, A, attrs, GS] -> [B, GS, A, attrs]
    xr = x.reshape(batch_num, n_anchors, attrs_per_anchor, grid_size).transpose(0, 3, 1, 2)
    txty = jax.nn.sigmoid(xr[..., 0:2]) * SCALE_XY - (SCALE_XY - 1.0) / 2.0
    twth = jnp.exp(xr[..., 2:4]) * anchors[None, None, :, :]
    rest = jax.nn.sigmoid(xr[..., 4:])
    grid = jnp.arange(grid_dim)
    y_off, x_off = jnp.meshgrid(grid, grid, indexing="ij")
    x_off = x_off.reshape(-1).astype(jnp.float32)  # [GS]
    y_off = y_off.reshape(-1).astype(jnp.float32)
    tx = (txty[..., 0] + x_off[None, :, None]) * grid_stride
    ty = (txty[..., 1] + y_off[None, :, None]) * grid_stride
    twth = twth * grid_stride
    out = jnp.concatenate([tx[..., None], ty[..., None], twth, rest], axis=-1)
    return out.reshape(batch_num, grid_size * n_anchors, attrs_per_anchor)

if __name__ == "__main__":
    import jax
    _d = setup_inputs()
    print(jax.jit(kernel)(*tuple(_d.values())))

</pallas_src>

<mosaic_0001>
module attributes {stable_mosaic.version = 14 : i64} {
  func.func @_decode_kernel(%arg0: i32, %arg1: memref<4x76x16x255xf32, #tpu.memory_space<vmem>>, %arg2: memref<4x255xf32, #tpu.memory_space<vmem>>, %arg3: memref<16x304x255xf32, #tpu.memory_space<vmem>>) attributes {dimension_semantics = [#tpu.dimension_semantics<arbitrary>], iteration_bounds = array<i64: 19>, scalar_prefetch = 0 : i64, scratch_operands = 0 : i64, tpu.core_type = #tpu.core_type<tc>, window_params = [{transform_indices = @transform_0, window_bounds = array<i64: 4, 76, 16, 255>}, {pipeline_mode = #tpu.pipeline_mode<synchronous>, transform_indices = @transform_1, window_bounds = array<i64: 4, 255>}, {transform_indices = @transform_2, window_bounds = array<i64: 16, 304, 255>}]} {
    %mul3A = arith.constant 4 : i32
    %mul3A_0 = arith.muli %arg0, %mul3A : i32
    %get3A = arith.constant 0 : index
    %get3A_1 = arith.constant 0 : index
    %get3A_2 = arith.constant 0 : index
    %get3A_3 = arith.constant 0 : index
    %get3A_4 = vector.load %arg1[%get3A, %get3A_1, %get3A_2, %get3A_3] : memref<4x76x16x255xf32, #tpu.memory_space<vmem>>, vector<4x76x16x255xf32>
    %neg3A = arith.constant 0.000000e+00 : f32
    %neg3A_5 = vector.broadcast %neg3A : f32 to vector<4x76x16x255xf32>
    %neg3A_6 = arith.subf %neg3A_5, %get3A_4 : vector<4x76x16x255xf32>
    %exp3A = math.exp %neg3A_6 : vector<4x76x16x255xf32>
    %get3A_7 = arith.constant 0 : index
    %get3A_8 = arith.constant 0 : index
    %get3A_9 = vector.load %arg2[%get3A_7, %get3A_8] : memref<4x255xf32, #tpu.memory_space<vmem>>, vector<1x255xf32>
    %reshape3A = vector.shape_cast %get3A_9 : vector<1x255xf32> to vector<1x1x1x255xf32>
    %get3A_10 = arith.constant 1 : index
    %get3A_11 = arith.constant 0 : index
    %get3A_12 = vector.load %arg2[%get3A_10, %get3A_11] : memref<4x255xf32, #tpu.memory_space<vmem>>, vector<1x255xf32>
    %reshape3A_13 = vector.shape_cast %get3A_12 : vector<1x255xf32> to vector<1x1x1x255xf32>
    %get3A_14 = arith.constant 2 : index
    %get3A_15 = arith.constant 0 : index
    %get3A_16 = vector.load %arg2[%get3A_14, %get3A_15] : memref<4x255xf32, #tpu.memory_space<vmem>>, vector<1x255xf32>
    %reshape3A_17 = vector.shape_cast %get3A_16 : vector<1x255xf32> to vector<1x1x1x255xf32>
    %get3A_18 = arith.constant 3 : index
    %get3A_19 = arith.constant 0 : index
    %get3A_20 = vector.load %arg2[%get3A_18, %get3A_19] : memref<4x255xf32, #tpu.memory_space<vmem>>, vector<1x255xf32>
    %reshape3A_21 = vector.shape_cast %get3A_20 : vector<1x255xf32> to vector<1x1x1x255xf32>
    %add3A = vector.broadcast %reshape3A_13 : vector<1x1x1x255xf32> to vector<4x76x16x255xf32>
    %add3A_22 = arith.addf %add3A, %exp3A : vector<4x76x16x255xf32>
    %div3A = vector.broadcast %reshape3A : vector<1x1x1x255xf32> to vector<4x76x16x255xf32>
    %div3A_23 = arith.divf %div3A, %add3A_22 : vector<4x76x16x255xf32>
    %iota3A = tpu.iota {dimensions = array<i32: 1>} : vector<1x76x1x1xi32>
    %iota3A_24 = tpu.iota {dimensions = array<i32: 0>} : vector<4x1x1x1xi32>
    %add3A_25 = vector.broadcast %mul3A_0 : i32 to vector<4x1x1x1xi32>
    %add3A_26 = arith.addi %add3A_25, %iota3A_24 : vector<4x1x1x1xi32>
    %convert_element_type3A = arith.sitofp %iota3A : vector<1x76x1x1xi32> to vector<1x76x1x1xf32>
    %mul3A_27 = vector.broadcast %reshape3A_17 : vector<1x1x1x255xf32> to vector<1x76x1x255xf32>
    %mul3A_28 = vector.broadcast %convert_element_type3A : vector<1x76x1x1xf32> to vector<1x76x1x255xf32>
    %mul3A_29 = arith.mulf %mul3A_27, %mul3A_28 : vector<1x76x1x255xf32>
    %add3A_30 = vector.broadcast %mul3A_29 : vector<1x76x1x255xf32> to vector<4x76x16x255xf32>
    %add3A_31 = arith.addf %div3A_23, %add3A_30 : vector<4x76x16x255xf32>
    %convert_element_type3A_32 = arith.sitofp %add3A_26 : vector<4x1x1x1xi32> to vector<4x1x1x1xf32>
    %mul3A_33 = vector.broadcast %reshape3A_21 : vector<1x1x1x255xf32> to vector<4x1x1x255xf32>
    %mul3A_34 = vector.broadcast %convert_element_type3A_32 : vector<4x1x1x1xf32> to vector<4x1x1x255xf32>
    %mul3A_35 = arith.mulf %mul3A_33, %mul3A_34 : vector<4x1x1x255xf32>
    %add3A_36 = vector.broadcast %mul3A_35 : vector<4x1x1x255xf32> to vector<4x76x16x255xf32>
    %add3A_37 = arith.addf %add3A_31, %add3A_36 : vector<4x76x16x255xf32>
    %transpose3A = tpu.transpose %add3A_37, [2, 0, 1, 3] : vector<4x76x16x255xf32> -> vector<16x4x76x255xf32>
    %reshape3A_38 = vector.shape_cast %transpose3A : vector<16x4x76x255xf32> to vector<16x304x255xf32>
    %swap3A = arith.constant 0 : index
    %swap3A_39 = arith.constant 0 : index
    %swap3A_40 = arith.constant 0 : index
    %swap3A_41 = vector.load %arg3[%swap3A, %swap3A_39, %swap3A_40] : memref<16x304x255xf32, #tpu.memory_space<vmem>>, vector<16x304x255xf32>
    tpu.vector_store %arg3[%swap3A, %swap3A_39, %swap3A_40], %reshape3A_38 {strides = array<i32>} : memref<16x304x255xf32, #tpu.memory_space<vmem>>, vector<16x304x255xf32>,
    return
  }
  func.func @transform_0(%arg0: i32) -> (i32, i32, i32, i32) {
    %c0_i32 = arith.constant 0 : i32
    %c0_i32_0 = arith.constant 0 : i32
    %c0_i32_1 = arith.constant 0 : i32
    %c0_i32_2 = arith.constant 0 : i32
    return %arg0, %c0_i32, %c0_i32_0, %c0_i32_1 : i32, i32, i32, i32
  }
  func.func @transform_1(%arg0: i32) -> (i32, i32) {
    %c0_i32 = arith.constant 0 : i32
    %c0_i32_0 = arith.constant 0 : i32
    %c0_i32_1 = arith.constant 0 : i32
    return %c0_i32, %c0_i32_0 : i32, i32
  }
  func.func @transform_2(%arg0: i32) -> (i32, i32, i32) {
    %c0_i32 = arith.constant 0 : i32
    %c0_i32_0 = arith.constant 0 : i32
    %c0_i32_1 = arith.constant 0 : i32
    return %c0_i32, %arg0, %c0_i32_0 : i32, i32, i32
  }
}

</mosaic_0001>

<sc_bundles>
// kernel: sparse-core-data-format-call.cloned.1.call-start
scs
called_computation_lowered:
.L_overlay_start_0:
0x0: {  	s2 =	sld [smem:$0x3FD9]  }
0x1: {  	s3 =	sld [smem:$0x3FFE];
	_ =	sdelay $0x1  }
0x2: {  	s1 =	srdreg.scid  }
0x3: {  	s0 =	sand.u32 $0x1, s1  }
0x4: {  	s18 =	sshll.u32 s0, $0xA;
	s2 =	sadd.s32 s3, s2  }
0x5: {  	s2 =	sadd.s32 s2, s18  }
0x6: {  	[smem:$0x3FC6] =	sst s2  }
0x7: {  	_ = 	snop  }
0x8: {  	s2 =	sld [smem:$0x3FD0];
	(tm) =	ssettm $0x1  }
0x9: {  	s19 =	sld [smem:$0x3FFB];
	_ =	sdelay $0x3  }
0xa: {  	_ =	strace s19  }
0xb: {  	s3 =	sld [smem:$0x3FFC];
	_ =	sdelay $0x3  }
0xc: {  	_ =	strace s3  }
0xd: {  	s3 =	sld [smem:$0x3FFD];
	_ =	sdelay $0x3  }
0xe: {  	_ =	strace s3  }
0xf: {  	_ =	strace $0x8FFFFFFF  }
0x10: {  	s20 =	sld [smem:$0x3FDB];
	_ =	sdelay $0x1  }
0x11: {  	s4 =	simm.s32 $_scs_section_size  }
0x12: {  	s5 =	simm.s32 $_size__tile_overlayer_lowered;
	s6 =	simm.s32 $_tile_overlayer_lowered  }
0x13: {  	s23 =	simm.s32 $0x1BFF;
	s22 =	sshll.u32 s6, $0x1;
	s3 =	sadd.s32 s4, s20  }
0x14: {  	s7 =	simm.s32 $0x0;
	s21 =	sshll.u32 s5, $0x1;
	s5 =	sadd.s32 s22, s3  }
0x15: {  	[timem:s7], [sflag:s23] =	dma.local [hbm:s5], s21  }
0x16: {  	_ =	swait.ge [sflag:s23], s21  }
0x17: {  	s4 =	ssub.s32 $0x0, s21;
	[sflag:s23] =	ssyncset.done $0x0  }
0x18: {  	[sflag:s23] =	ssyncadd.s32 s4;
	_ =	sdelay $0x1  }
0x19: {  	s24 =	simm.s32 $0x1B8B  }
0x1a: {  	_ =	swait.ge [sflag:s24], $0x1  }
0x1b: {  	[sflag:s24] =	ssyncset.done $0x0  }
0x1c: {  	s26 =	simm.s32 $0x1B8E;
	s25 =	sld [smem:$0x3FFE];
	[sflag:s24] =	ssyncadd.s32 $0xFFFFFFFF  }
0x1d: {  	s27 =	simm.s32 $execute0_lowered;
	[smem:$0x3FD2] =	sst s26  }
0x1e: {  	s5 =	sshll.u32 s27, $0x1;
	_ =	strace $0x80000046;
	[dreg:$0x1] =	wrdreg $0xFFFFFFFF  }
0x1f: {  	s28 =	simm.s32 $_size_execute0_lowered;
	s3 =	sadd.s32 s3, s5;
	[dreg:$0x0] =	wrdreg $0x0  }
0x20: {  	s5 =	sshll.u32 s28, $0x1;
	[dreg:$0x2] =	wrdreg s3  }
0x21: {  	[dreg:$0x3] =	wrdreg s5  }
0x22: {  	[dreg:$0x4] =	wrdreg $0xC0  }
0x23: {  	_ =	task [dreg:s7], $0x5FFFF  }
0x24: {  	[dreg:$0x1] =	wrdreg $0xFFFFFFFF  }
0x25: {  	[dreg:$0x0] =	wrdreg $0x60  }
0x26: {  	[dreg:$0x2] =	wrdreg s25  }
0x27: {  	[dreg:$0x3] =	wrdreg s2  }
0x28: {  	[dreg:$0x4] =	wrdreg $0x9  }
0x29: {  	_ =	task.clear_ibuf [dreg:s7], $0x5FFFF;
	_ =	strace $0x90000046  }
0x2a: {  	s29 =	simm.s32 $0x9;
	_ =	strace $0x80000048  }
0x2b: {  	_ =	swait.ge [sflag:s29], $0x1  }
0x2c: {  	[sflag:s29] =	ssyncadd.s32 $0xFFFFFFFF  }
0x2d: {  	_ =	strace $0x90000048  }
0x2e: {  	_ =	sfence  }
0x2f: {  	s30 =	sld [smem:$0x0];
	_ =	sdelay $0x2  }
0x30: {  	s31 =	sshll.u32 s1, $0xD;
	s1 =	sshrl.u32 s1, $0x2  }
0x31: {  	s3 =	sand.u32 $0x4000, s31;
	s1 =	sadd.s32 s1, s30  }
0x32: {  	s0 =	sor.u32 s3, s0;
	s1 =	sshll.u32 s1, $0x11  }
0x33: {  	s0 =	sor.u32 s1, s0  }
0x34: {  	s0 =	sadd.s32 $0x8F2B, s0  }
0x35: {  	[sflag:s0] =	ssyncadd.remote.s32 $0x1  }
0x36: {  	_ =	sfence.sel $0xFFFF  }
0x37: {  	[dreg:$0x0] =	wrdreg $0xFFFFFFFF;
	(pc) =	sbr.abs _section_cstart, $3  }
0x38: {  	[dreg:$0x1] =	wrdreg $0xFFFFFFFF  }
0x39: {  	_ =	task.clear_ibuf [dreg:s7], $0x2FFFF;
	_ =	strace $0x9FFFFFFF  }
0x3a: {  	(tm) =	ssettm $0x7FFFFFFF  }
0x3b: {  	_ =	shalt  }
tec
execute0_lowered:
.L_overlay_start_1:
0x0: {  	(tag) =	ssettag $0x1  }
0x1: {  	s0 =	rddreg [dreg:$0x0];
	_ =	strace $0x80000047  }
0x2: {  	s17 =	stileid.u32;
	s31 =	srdreg.scid;
	s4 =	simm.s32 $0x1  }
.Ltmp0:
0x3: {  	s2 =	simm.s32 $0x2;
	s12 =	simm.s32 $0x0;
	(pc) =	sbr.rel .LBB1_1-.Ltmp0, $4  }
0x4: {  	s13 =	simm.s32 $0x0;
	s8 =	simm.s32 $0x0;
	s10 =	simm.s32 $0x0  }
0x5: {  	s11 =	stileid.u32;
	s3 =	sadd.s32 $0x600, s0;
	s0 =	sshll.u32 s31, $0x7  }
0x6: {  	s7 =	simm.s32 $0x0;
	[sflag:s4] =	ssyncpa.u1 $0x0;
	s5 =	sand.u32 $0x80, s0  }
0x7: {  	s21 =	simm.s32 $0x0;
	[sflag:s2] =	ssyncpa.u1 $0x0;
	s9 =	smov.u32 s5  }
.LBB1_11:
0x8: {  	s0 =	sshrl.u32 s10, $0x3;
	s1 =	sshll.u32 s8, $0x3  }
0x9: {  	s2 =	sshll.u32 s10, $0x7;
	s6 =	sand.u32 $0x7F, s8;
	s0 =	smul.u32 $0x22000, s0  }
0xa: {  	p0 =	sgt.s32 s8, $0x4380;
	s1 =	sand.u32 $0xFFFFFC00, s1;
	s2 =	sand.u32 $0x380, s2  }
0xb: {  	s27 =	sor.u32 s6, s2;
	s2 =	smov.u32 s8;
	s0 =	sadd.s32 s0, s1  }
0xc: {  	s2 =	simm.s32 @!p0 $0x4380;
	s1 =	sor.u32 s0, s27  }
0xd: {  	s2 =	sadd.s32 s15, s2;
	s28 =	smulhi.u32 $0xF0F0F0F1, s1  }
0xe: {  	s29 =	rddreg [dreg:$0x1];
	s0 =	smulhi.u32 $0xF0F0F0F1, s0;
	s15 =	sadd.s32 $0xFFFFBC80, s2  }
0xf: {  	s2 =	ssub.s32 $0x4400, s2;
	p0 =	sgt.s32 s15, $0x7F;
	s6 =	sshrl.u32 s28, $0xE  }
0x10: {  	s0 =	sshrl.u32 s0, $0xE;
	s2 =	simm.s32 @p0 $0x0;
	s6 =	smul.u32 $0x4400, s6  }
0x11: {  	s30 =	sor.u32 $0x8000, s16;
	s0 =	sand.u32 $0xF, s0;
	s2 =	smul.u32 s2, s14  }
0x12: {  	s31 =	simm.s32 $0x44000;
	s0 =	smul.u32 $0x880, s0;
	s1 =	ssub.s32 s1, s6  }
0x13: {  	s2 =	smul.u32 $0x55, s2;
	s6 =	sshrl.u32 s1, $0x3;
	s1 =	sand.u32 $0x7, s1  }
0x14: {  	s17 =	stileid.u32;
	s6 =	sadd.s32 s29, s6;
	s1 =	sshll.u32 s1, $0x12  }
0x15: {  	s2 =	sand.u32 $0x3FFFFFFF, s2;
	s0 =	sadd.s32 s0, s6;
	s1 =	sor.u32 $0x80, s1  }
0x16: {  	[hbm4b:s0+s1] =	stream.strided.scatter [tilespmem:s30], [sflag:$0x2], s2, s31, s1, $0x20;
	[tilespmem:$0x10100] =	vst v63  }
.LBB1_12:
0x17: {  	p0 =	slt.u32 s7, $0x2  }
0x18: {  	s1 =	smov.u32 s13;
	s2 =	smov.u32 s12;
	p1 =	sgt.s32 @!p0 s13, $0xF  }
0x19: {  	s0 =	sshra.s32 @!p0 s13, $0x1F;
	p2 =	sgt.s32 @!p0 s12, $0x4380;
	s6 =	sshra.s32 @!p0 s12, $0x1F  }
0x1a: {  	p1 =	por !p1, p0;
	s0 =	sand.u32 @!p0 s0, s13;
	p2 =	por !p2, p0  }
0x1b: {  	s6 =	sand.u32 @!p0 s6, s12;
	s1 =	simm.s32 @p1 $0xF;
	s2 =	simm.s32 @p2 $0x4380  }
0x1c: {  	s0 =	ssub.s32 @!p0 s1, s0;
	s1 =	ssub.s32 @!p0 s2, s6  }
0x1d: {  	s2 =	sadd.s32 @!p0 $0xFFFFFFF1, s0;
	s0 =	ssub.s32 @!p0 $0x10, s0;
	s6 =	sadd.s32 @!p0 $0xFFFFBC80, s1  }
0x1e: {  	p1 =	sgt.s32 @!p0 s2, $0x0;
	s0 =	smul.u32 @!p0 $0x55, s0;
	p2 =	sgt.s32 @!p0 s6, $0x7F  }
0x1f: {  	s1 =	ssub.s32 @!p0 $0x4400, s1;
	p1 =	por !p1, p0;
	p2 =	por !p2, p0  }
0x20: {  	s0 =	simm.s32 @!p1 $0x0;
	s1 =	simm.s32 @!p2 $0x0  }
0x21: {  	s0 =	smul.u32 @!p0 s1, s0;
	s1 =	sadd.s32 $0x100, s9  }
0x22: {  	s14 =	smov.u32 s11;
	s6 =	sadd.s32 $0x10, s11;
	p1 =	sgt.s32 s1, $0x43AF  }
0x23: {  	s14 =	smov.u32 @p1 s6  }
0x24: {  	s7 =	sadd.s32 $0x1, s7;
	s1 =	smov.u32 @p1 s5;
	p1 =	sgt.s32 s14, $0xF  }
0x25: {  	s14 =	smov.u32 @p1 s17;
	p1 =	sne.s32 s7, $0x46  }
.Ltmp1:
0x26: {  	_ = 	snop;
	(pc) =	sbr.rel @!p1 .LBB1_13-.Ltmp1, $4  }
0x27: {  	s12 =	smov.u32 s8;
	s2 =	simm.s32 @!p0 $0x2;
	s0 =	sand.u32 @!p0 $0x3FFFFFFF, s0  }
0x28: {  	s13 =	smov.u32 s10;
	s8 =	smov.u32 s9;
	_ =	swait.ge @!p0 [sflag:s2], s0  }
0x29: {  	s10 =	smov.u32 s11;
	s0 =	ssub.s32 @!p0 $0x0, s0;
	[sflag:s2] =	ssyncset.done @!p0 $0x0  }
0x2a: {  	s9 =	smov.u32 s1;
	[sflag:s2] =	ssyncadd.s32 @!p0 s0;
	s11 =	smov.u32 s14  }
.LBB1_1:
0x2b: {  	p0 =	sgt.u32 s7, $0x43;
	s2 =	smov.u32 s11  }
0x2c: {  	s15 =	smov.u32 s9;
	p1 =	sgt.s32 @!p0 s11, $0xF;
	s0 =	sand.u32 @!p0 $0x1FFFFFF, s9  }
0x2d: {  	s14 =	sshra.s32 @!p0 s11, $0x1F;
	s16 =	sshra.s32 @!p0 s9, $0x1F;
	p1 =	por !p1, p0  }
0x2e: {  	s6 =	smulhi.u32 @!p0 $0x7906DB, s0;
	s2 =	simm.s32 @p1 $0xF;
	p1 =	sgt.s32 @!p0 s9, $0x4330  }
0x2f: {  	s14 =	sand.u32 @!p0 s14, s11;
	s16 =	sand.u32 @!p0 s16, s9;
	p1 =	por !p1, p0  }
0x30: {  	s2 =	ssub.s32 @!p0 s2, s14;
	s6 =	sshrl.u32 @!p0 s6, $0x5;
	s15 =	simm.s32 @p1 $0x4330  }
0x31: {  	s2 =	sadd.s32 @!p0 $0xFFFFFFF1, s2;
	s6 =	smul.u32 @!p0 $0x43B0, s6;
	s14 =	ssub.s32 @!p0 s15, s16  }
0x32: {  	p1 =	sgt.s32 @!p0 s2, $0x0;
	s2 =	sshll.u32 @!p0 s2, $0x7;
	s15 =	sadd.s32 @!p0 $0xFFFFBCD0, s14  }
0x33: {  	s16 =	smul.u32 @!p0 $0x43B00, s11;
	s14 =	ssub.s32 @!p0 $0x43B0, s14;
	p2 =	sgt.s32 @!p0 s15, $0x7F  }
0x34: {  	s2 =	ssub.s32 @!p0 $0x80, s2;
	p1 =	por !p1, p0;
	p2 =	por !p2, p0  }
0x35: {  	s15 =	sxor.u32 @!p0 $0xFFFFFFFF, s7;
	s2 =	simm.s32 @!p1 $0x0;
	s14 =	simm.s32 @!p2 $0x0  }
0x36: {  	s0 =	ssub.s32 @!p0 s0, s6;
	s6 =	sshll.u32 @!p0 s15, $0xE;
	s2 =	smul.u32 @!p0 s14, s2  }
0x37: {  	s0 =	sshll.u32 @!p0 s0, $0x4;
	s6 =	sand.u32 @!p0 $0x4000, s6;
	s14 =	sadd.s32 @!p0 s3, s16  }
0x38: {  	s0 =	sadd.s32 @!p0 s0, s14;
	s14 =	simm.s32 @!p0 $0x0;
	s2 =	sand.u32 @!p0 $0x3FFFFF80, s2  }
0x39: {  	[tilespmem:s6], [sflag:$0x1] =	stream.linear.gather @!p0 [hbm4b:s0+s14], s2, $0x38;
	[tilespmem:$0x10100] =	vst v63  }
0x3a: {  	p0 =	seq.s32 s7, $0x0  }
0x3b: {  	p1 =	seq.s32 @!p0 s7, $0x45  }
0x3c: {  	p0 =	por p0, p1  }
.Ltmp2:
0x3d: {  	_ = 	snop;
	(pc) =	sbr.rel @p0 .LBB1_12-.Ltmp2, $1  }
0x3e: {  	_ =	sdelay $0x3  }
0x3f: {  	p0 =	sgt.s32 s10, $0xF  }
0x40: {  	s0 =	smov.u32 s10;
	s2 =	sshra.s32 s10, $0x1F;
	s6 =	ssub.s32 $0x0, s8  }
0x41: {  	s14 =	sshra.s32 s8, $0x1F;
	s0 =	simm.s32 @!p0 $0xF;
	s2 =	sand.u32 s2, s10  }
0x42: {  	s16 =	smov.u32 s8;
	p0 =	sgt.s32 s8, $0x4330;
	s0 =	ssub.s32 s0, s2  }
0x43: {  	s15 =	sand.u32 s6, s14;
	s16 =	simm.s32 @!p0 $0x4330;
	s2 =	sadd.s32 $0xFFFFFFF1, s0  }
0x44: {  	s6 =	sadd.s32 s15, s16;
	s14 =	ssub.s32 $0x10, s0;
	p0 =	sgt.s32 s2, $0x0  }
0x45: {  	s30 =	sadd.s32 $0xFFFFBCD0, s6;
	s0 =	ssub.s32 $0x43B0, s6;
	s2 =	sadd.s32 $0x1, s10  }
0x46: {  	s6 =	sadd.s32 $0x80, s8;
	s14 =	simm.s32 @p0 $0x0;
	p0 =	slt.s32 s2, $0x10  }
0x47: {  	s2 =	simm.s32 @!p0 $0x10;
	p0 =	slt.s32 s6, $0x43B0  }
0x48: {  	p1 =	sgt.s32 s30, $0x7F;
	s17 =	ssub.s32 s2, s10;
	s6 =	simm.s32 @!p0 $0x43B0  }
0x49: {  	s0 =	simm.s32 @p1 $0x0;
	s18 =	ssub.s32 s6, s8;
	p0 =	slt.s32 s17, $0x1  }
0x4a: {  	s0 =	smul.u32 s0, s14;
	p1 =	slt.s32 @!p0 s18, $0x1  }
0x4b: {  	p1 =	por p0, p1  }
.Ltmp3:
0x4c: {  	s0 =	sshll.u32 s0, $0x7;
	(pc) =	sbr.rel @p1 .LBB1_11-.Ltmp3, $4  }
0x4d: {  	s31 =	sand.u32 $0x3FFFFF80, s0  }
0x4e: {  	_ =	swait.ge [sflag:s4], s31  }
0x4f: {  	s0 =	sand.u32 $0x1, s7;
	s2 =	ssub.s32 $0x0, s31;
	[sflag:s4] =	ssyncset.done $0x0  }
0x50: {  	s16 =	smul.u32 $0x4080, s0;
	[sflag:s4] =	ssyncadd.s32 s2  }
0x51: {  	_ = 	snop  }
0x52: {  	s19 =	sshll.u32 @!p0 s0, $0xE;
	s22 =	simm.s32 $0x0;
	s20 =	sor.u32 @!p0 $0x8000, s16  }
.LBB1_4:
0x53: {  	s0 =	sshll.u32 s22, $0x10  }
0x54: {  	s0 =	sshra.s32 s0, $0x2  }
0x55: {  	s0 =	sadd.s32 s0, s19  }
0x56: {  	v0 =	vmov s0;
	_ =	sdelay $0x2  }
0x57: {  	s30 =	sand.u32 $0x7, s22  }
0x58: {  	s31 =	sand.u32 $0x3F80, s21;
	p1 =	sne.s32 s18, $0x1;
	s0 =	smul.u32 $0x204, s30  }
.Ltmp4:
0x59: {  	v11 =	vld.idx.msk [tilespmem:v0+s31+$0x0 ss:$0x1], $0xffff;
	(pc) =	sbr.rel @!p1 .LBB1_5-.Ltmp4, $4  }
0x5a: {  	s2 =	simm.s32 $0x1;
	s0 =	sshrl.u32 s0, $0x2;
	v8 =	vld.idx.msk [tilespmem:v0+s31+$0x10 ss:$0x1], $0xffff  }
0x5b: {  	s6 =	simm.s32 $0x80;
	p0 =	por $0x0, $0x0;
	s28 =	sadd.s32 s0, s20;
	v9 =	vld.idx.msk [tilespmem:v0+s31+$0x20 ss:$0x1], $0xffff  }
0x5c: {  	s0 =	sand.u32 $0x7F, s21;
	s26 =	sadd.s32 $0x810, s28;
	s27 =	sadd.s32 $0x1020, s28;
	v10 =	vld.idx.msk [tilespmem:v0+s31+$0x30 ss:$0x1], $0xffff  }
0x5d: {  	s25 =	sadd.s32 $0x1830, s28;
	s24 =	sadd.s32 $0x2040, s28;
	s23 =	sadd.s32 $0x2850, s28;
	v7 =	vld.idx.msk [tilespmem:v0+s31+$0x40 ss:$0x1], $0xffff  }
0x5e: {  	_ =	sdelay $0x3  }
0x5f: {  	s30 =	sand.u32 $0x3F80, s6;
	s1 =	sadd.s32 s0, s28;
	v1 =	vld.idx.msk [tilespmem:v0+s31+$0x50 ss:$0x1], $0xffff;
	p1 =	sne.s32 s18, $0x2  }
.Ltmp5:
0x60: {  	v2 =	vld.idx.msk [tilespmem:v0+s30+$0x0 ss:$0x1], $0xffff;
	[tilespmem:s1+$0x0 ss:$0x81] =	vst.msk $0xffff, v11;
	s1 =	sadd.s32 s0, s26;
	(pc) =	sbr.rel @!p1 .LBB1_7-.Ltmp5, $4  }
0x61: {  	v3 =	vld.idx.msk [tilespmem:v0+s30+$0x10 ss:$0x1], $0xffff;
	[tilespmem:s1+$0x0 ss:$0x81] =	vst.msk $0xffff, v8;
	s1 =	sadd.s32 s0, s27  }
0x62: {  	v4 =	vld.idx.msk [tilespmem:v0+s30+$0x20 ss:$0x1], $0xffff;
	[tilespmem:s1+$0x0 ss:$0x81] =	vst.msk $0xffff, v9;
	s1 =	sadd.s32 s0, s25  }
0x63: {  	s31 =	simm.s32 $0x2;
	s29 =	sand.u32 $0x7F, s2;
	v5 =	vld.idx.msk [tilespmem:v0+s30+$0x30 ss:$0x1], $0xffff;
	[tilespmem:s1+$0x0 ss:$0x81] =	vst.msk $0xffff, v10;
	s1 =	sadd.s32 s0, s24  }
0x64: {  	s2 =	simm.s32 $0x100;
	s6 =	sadd.s32 s0, s23;
	p0 =	por $0x1, $0x1;
	v6 =	vld.idx.msk [tilespmem:v0+s30+$0x40 ss:$0x1], $0xffff;
	[tilespmem:s1+$0x0 ss:$0x81] =	vst.msk $0xffff, v7  }
.LBB1_8:
0x65: {  	s1 =	smov.u32 s31;
	s31 =	sadd.s32 $0x1, s31  }
0x66: {  	s0 =	sadd.s32 s29, s28;
	[tilespmem:s6+$0x0 ss:$0x81] =	vst.msk $0xffff, v1;
	v1 =	vld.idx.msk [tilespmem:v0+s30+$0x50 ss:$0x1], $0xffff;
	s30 =	sand.u32 $0x3F80, s2;
	p1 =	sne.s32 s18, s31  }
.Ltmp6:
0x67: {  	[tilespmem:s0+$0x0 ss:$0x81] =	vst.msk $0xffff, v2;
	v2 =	vld.idx.msk [tilespmem:v0+s30+$0x0 ss:$0x1], $0xffff;
	s0 =	sadd.s32 s29, s26;
	(pc) =	sbr.rel @p1 .LBB1_8-.Ltmp6, $4  }
0x68: {  	[tilespmem:s0+$0x0 ss:$0x81] =	vst.msk $0xffff, v3;
	v3 =	vld.idx.msk [tilespmem:v0+s30+$0x10 ss:$0x1], $0xffff;
	s0 =	sadd.s32 s29, s27  }
0x69: {  	[tilespmem:s0+$0x0 ss:$0x81] =	vst.msk $0xffff, v4;
	v4 =	vld.idx.msk [tilespmem:v0+s30+$0x20 ss:$0x1], $0xffff;
	s0 =	sadd.s32 s29, s25  }
0x6a: {  	[tilespmem:s0+$0x0 ss:$0x81] =	vst.msk $0xffff, v5;
	v5 =	vld.idx.msk [tilespmem:v0+s30+$0x30 ss:$0x1], $0xffff;
	s0 =	sadd.s32 s29, s24  }
0x6b: {  	s2 =	sadd.s32 $0x80, s2;
	s6 =	sadd.s32 s29, s23;
	s29 =	sand.u32 $0x7F, s1;
	[tilespmem:s0+$0x0 ss:$0x81] =	vst.msk $0xffff, v6;
	v6 =	vld.idx.msk [tilespmem:v0+s30+$0x40 ss:$0x1], $0xffff  }
0x6c: {  	_ =	sdelay $0x3  }
0x6d: {  	s0 =	smov.u32 s29;
	s31 =	smov.u32 s30;
	v11 =	vmovc v2;
	v8 =	vmovc v3;
	v9 =	vmov v4;
	v10 =	vmov v5;
	v7 =	vmov v6  }
.LBB1_10:
0x6e: {  	_ =	sdelay $0x2  }
0x6f: {  	s1 =	sadd.s32 s0, s28;
	[tilespmem:s6+$0x0 ss:$0x81] =	vst.msk @p0 $0xffff, v1;
	s22 =	sadd.s32 $0x1, s22  }
0x70: {  	v0 =	vld.idx.msk [tilespmem:v0+s31+$0x50 ss:$0x1], $0xffff;
	s26 =	sadd.s32 s0, s26;
	[tilespmem:s1+$0x0 ss:$0x81] =	vst.msk $0xffff, v11;
	p0 =	sne.s32 s22, s17  }
.Ltmp7:
0x71: {  	s28 =	sadd.s32 s0, s27;
	[tilespmem:s26+$0x0 ss:$0x81] =	vst.msk $0xffff, v8;
	(pc) =	sbr.rel @p0 .LBB1_4-.Ltmp7, $4  }
.Ltmp8:
0x72: {  	s29 =	sadd.s32 s0, s25;
	[tilespmem:s28+$0x0 ss:$0x81] =	vst.msk $0xffff, v9;
	(pc) =	sbr.rel @!p0 .LBB1_11-.Ltmp8, $4  }
0x73: {  	s30 =	sadd.s32 s0, s24;
	[tilespmem:s29+$0x0 ss:$0x81] =	vst.msk $0xffff, v10  }
0x74: {  	s31 =	sadd.s32 s0, s23;
	[tilespmem:s30+$0x0 ss:$0x81] =	vst.msk $0xffff, v7  }
0x75: {  	[tilespmem:s31+$0x0 ss:$0x81] =	vst.msk $0xffff, v0  }
0x76: {  	_ = 	snop  }
.LBB1_5:
.Ltmp9:
0x77: {  	(pc) =	sbr.rel .LBB1_10-.Ltmp9, $2  }
0x78: {  	_ =	sdelay $0x2  }
0x79: {  	_ = 	snop  }
.LBB1_7:
.Ltmp10:
0x7a: {  	_ = 	snop;
	(pc) =	sbr.rel .LBB1_10-.Ltmp10, $2  }
0x7b: {  	_ =	sdelay $0x2  }
0x7c: {  	s0 =	smov.u32 s29;
	s31 =	smov.u32 s30;
	v11 =	vmovc v2;
	v8 =	vmovc v3;
	v9 =	vmov v4;
	v10 =	vmov v5;
	v7 =	vmov v6  }
.LBB1_13:
0x7d: {  	_ =	sfence.sel $0x180000  }
0x7e: {  	s0 =	simm.s32 $0x1;
	[bflag:$0x0] =	sbarrier.arrive $0xFFFF  }
0x7f: {  	s31 =	simm.s32 $0x2;
	[sflag:s0] =	ssyncpa.u1 $0x1  }
0x80: {  	[sflag:s31] =	ssyncpa.u1 $0x1  }
0x81: {  	_ =	strace $0x90000047  }
0x82: {  	[bflag:$0x2] =	sbarrier.arrive $0xFFFF  }
0x83: {  	p0 =	sne.s32 s17, $0x0;
	s0 =	rddreg [dreg:$0x2]  }
0x84: {  	s0 =	sadd.s32 @!p0 $0x100000, s0  }
0x85: {  	[sflag:s0] =	ssyncadd.tile.s32 @!p0 $0x1;
	_ =	shalt  }
.Lfunc_end1:
_tile_overlayer_lowered:
.L_overlay_start_2:
0x86: {  	(tag) =	ssettag $0x2  }
0x87: {  	s0 =	rddreg [dreg:$0x0];
	s2 =	stileid.u32  }
0x88: {  	s1 =	rddreg [dreg:$0x1];
	p0 =	sne.s32 s2, $0x0  }
0x89: {  	s3 =	rddreg [dreg:$0x2];
	[bflag:$0x3] =	sbarrier.arrive $0xFFFF;
	s2 =	simm.s32 @!p0 $0x1C01  }
0x8a: {  	[timem:s3], [sflag:s2] =	dma.local @!p0 [hbm:s0], s1  }
0x8b: {  	s0 =	simm.s32 @!p0 $0x1  }
0x8c: {  	_ =	swait.ge @!p0 [sflag:s0], s1  }
0x8d: {  	s1 =	ssub.s32 @!p0 $0x0, s1;
	[sflag:s0] =	ssyncset.done @!p0 $0x0  }
0x8e: {  	[sflag:s0] =	ssyncadd.s32 @!p0 s1  }
0x8f: {  	[bflag:$0x3] =	sbarrier.arrive $0xFFFF  }
0x90: {  	_ =	shalt  }

</sc_bundles>
